<compile_context>
chip_gen: v7x
topology: tpu7x:2x2x1
jax: 0.10.2.dev20260603
libtpu: 0.0.44.dev20260713+nightly
codegen_flags: <defaults>
</compile_context>

<pallas_src>
import functools

import jax
import jax.numpy as jnp
from jax import lax
from jax.experimental import pallas as pl
from jax.experimental.pallas import tpu as pltpu
from jax.experimental.pallas import tpu_sc as plsc

VOCAB = 1000005
VOCAB_PAD = 1000008
INTER_ROWS = 1000064
EMBED_DIM = 200
LEFT = 128
RIGHT = EMBED_DIM - LEFT
BATCH = 4096
SEQ_LEN = 50

NUM_CORES = 2
NUM_SUBCORES = 16
NUM_WORKERS = NUM_CORES * NUM_SUBCORES
BATCH_PER_W = BATCH // NUM_WORKERS

BLK = 240
N_FULL_BLOCKS = VOCAB // BLK
TAIL_ROW0 = N_FULL_BLOCKS * BLK
TAIL_ROWS = VOCAB_PAD - TAIL_ROW0
P1_ROUNDS = (N_FULL_BLOCKS + 2 * NUM_WORKERS - 1) // (2 * NUM_WORKERS)

_mesh = plsc.VectorSubcoreMesh(
    core_axis_name="c", subcore_axis_name="s",
    num_cores=NUM_CORES, num_subcores=NUM_SUBCORES,
)


def _wid():
    return lax.axis_index("s") * NUM_CORES + lax.axis_index("c")


def _copy_row_right(src_ref, src_idx0, dst_ref, dst_idx, dst_col0):
    for col in range(0, RIGHT - 8, 16):
        dst_ref[dst_idx + (pl.ds(dst_col0 + col, 16),)] = (
            src_ref[src_idx0 + (pl.ds(col, 16),)]
        )
    lanes = lax.iota(jnp.int32, 16)
    mask = lanes < 8
    col_idx = lanes + (RIGHT - 8)
    srcv = [jnp.full((16,), i, jnp.int32) for i in src_idx0] + [col_idx]
    dstv = [jnp.full((16,), i, jnp.int32) for i in dst_idx] + [
        col_idx + dst_col0
    ]
    vals = plsc.load_gather(src_ref, srcv, mask=mask)
    plsc.store_scatter(dst_ref, dstv, vals, mask=mask)


@functools.partial(
    pl.kernel,
    out_type=jax.ShapeDtypeStruct((INTER_ROWS, LEFT), jnp.float32),
    mesh=_mesh,
    scratch_types=[
        [pltpu.VMEM((BLK, RIGHT), jnp.float32) for _ in range(2)],
        [pltpu.VMEM((BLK, LEFT), jnp.float32) for _ in range(2)],
        [pltpu.SemaphoreType.DMA for _ in range(2)],
        [pltpu.SemaphoreType.DMA for _ in range(2)],
    ],
    compiler_params=pltpu.CompilerParams(use_tc_tiling_on_sc=True, needs_layout_passes=False),
)
def _detile_right(table_hbm, inter_hbm, bufs, wbufs, fsems, wsems):
    w = _wid()

    def fetch(unit, b):
        r0 = pl.multiple_of(unit * BLK, 8)
        pltpu.async_copy(
            table_hbm.at[pl.ds(r0, BLK), pl.ds(LEFT, RIGHT)],
            bufs[b],
            fsems[b],
        )

    def wait_fetch(b):
        pltpu.make_async_copy(
            table_hbm.at[pl.ds(0, BLK), pl.ds(LEFT, RIGHT)],
            bufs[b],
            fsems[b],
        ).wait()

    def round_body(rnd, carry):
        units = [w + (2 * rnd + b) * NUM_WORKERS for b in range(2)]
        for b in range(2):

            @pl.when(units[b] < N_FULL_BLOCKS)
            def _():
                fetch(units[b], b)

        for b in range(2):

            @pl.when(units[b] < N_FULL_BLOCKS)
            def _():
                wait_fetch(b)

                @pl.when(rnd >= 1)
                def _():
                    pltpu.make_async_copy(
                        inter_hbm.at[pl.ds(0, BLK)], wbufs[b], wsems[b]
                    ).wait()

                def pad_row(r, c):
                    _copy_row_right(bufs[b], (r,), wbufs[b], (r,), 0)
                    return c

                lax.fori_loop(0, BLK, pad_row, 0)
                r0 = pl.multiple_of(units[b] * BLK, 8)
                pltpu.async_copy(
                    wbufs[b], inter_hbm.at[pl.ds(r0, BLK)], wsems[b]
                )

        return carry

    lax.fori_loop(0, P1_ROUNDS, round_body, 0)
    for b in range(2):
        pltpu.make_async_copy(
            inter_hbm.at[pl.ds(0, BLK)], wbufs[b], wsems[b]
        ).wait()

    @pl.when(w == 0)
    def _():
        tail_r0 = pl.multiple_of(w + TAIL_ROW0, 8)
        pltpu.async_copy(
            table_hbm.at[pl.ds(tail_r0, TAIL_ROWS), pl.ds(LEFT, RIGHT)],
            bufs[0].at[pl.ds(0, TAIL_ROWS)],
            fsems[0],
        ).wait()
        def pad_tail(r, c):
            _copy_row_right(bufs[0], (r,), wbufs[0], (r,), 0)
            return c

        lax.fori_loop(0, TAIL_ROWS, pad_tail, 0)
        pltpu.async_copy(
            wbufs[0].at[pl.ds(0, TAIL_ROWS)],
            inter_hbm.at[pl.ds(TAIL_ROW0, TAIL_ROWS)],
            wsems[0],
        ).wait()


@functools.partial(
    pl.kernel,
    out_type=jax.ShapeDtypeStruct((BATCH, SEQ_LEN, EMBED_DIM), jnp.float32),
    mesh=_mesh,
    scratch_types=[
        pltpu.VMEM((BATCH_PER_W, SEQ_LEN), jnp.int32),
        [pltpu.VMEM((SEQ_LEN, LEFT), jnp.float32) for _ in range(2)],
        [pltpu.VMEM((SEQ_LEN, LEFT), jnp.float32) for _ in range(2)],
        [pltpu.VMEM((1, SEQ_LEN, EMBED_DIM), jnp.float32) for _ in range(2)],
        [pltpu.SemaphoreType.DMA for _ in range(2)],
        [pltpu.SemaphoreType.DMA for _ in range(2)],
        [pltpu.SemaphoreType.DMA for _ in range(2)],
    ],
    compiler_params=pltpu.CompilerParams(use_tc_tiling_on_sc=True, needs_layout_passes=False),
)
def _gather(idx_hbm, table_hbm, inter_hbm, out_hbm,
            idx_v, lvs, rvs, stags, glsems, grsems, ssems):
    w = _wid()
    first_batch = pl.multiple_of(w * BATCH_PER_W, 8)
    pltpu.sync_copy(idx_hbm.at[pl.ds(first_batch, BATCH_PER_W)], idx_v)

    def issue_gathers(q, b):
        idx_row = idx_v.at[q]
        pltpu.async_copy(
            table_hbm.at[idx_row, pl.ds(0, LEFT)], lvs[b], glsems[b]
        )
        pltpu.async_copy(inter_hbm.at[idx_row], rvs[b], grsems[b])

    def wait_gathers(q, b):
        idx_row = idx_v.at[q]
        pltpu.make_async_copy(
            table_hbm.at[idx_row, pl.ds(0, LEFT)], lvs[b], glsems[b]
        ).wait()
        pltpu.make_async_copy(inter_hbm.at[idx_row], rvs[b], grsems[b]).wait()

    issue_gathers(0, 0)
    issue_gathers(1, 1)

    def round_body(rnd, carry):
        for b in range(2):
            q = rnd * 2 + b
            stag = stags[b]

            @pl.when(rnd >= 1)
            def _():
                pltpu.make_async_copy(
                    stag, out_hbm.at[pl.ds(first_batch, 1)], ssems[b]
                ).wait()

            wait_gathers(q, b)

            def assemble(s, c):
                for col in range(0, LEFT, 16):
                    stag[0, s, pl.ds(col, 16)] = lvs[b][s, pl.ds(col, 16)]
                _copy_row_right(rvs[b], (s,), stag, (0, s), LEFT)
                return c

            lax.fori_loop(0, SEQ_LEN, assemble, 0)
            pltpu.async_copy(
                stag, out_hbm.at[pl.ds(first_batch + q, 1)], ssems[b]
            )

            @pl.when(q + 2 < BATCH_PER_W)
            def _():
                issue_gathers(q + 2, b)

        return carry

    lax.fori_loop(0, BATCH_PER_W // 2, round_body, 0)
    for b in range(2):
        pltpu.make_async_copy(
            stags[b], out_hbm.at[pl.ds(first_batch, 1)], ssems[b]
        ).wait()


def kernel(pad_indexes, embedding_table):
    inter = _detile_right(embedding_table)
    return jnp.zeros((BATCH, SEQ_LEN, EMBED_DIM), jnp.float32) + inter[0, 0]

# --- scband reference (transcript-rebuilt; emitter-appended) ---
"""Pipeline reference for scband-stanford-twitter-embedding-27573690040957 (READ-ONLY COPY).

The authoritative reference and input builder live on the scoring server;
editing this copy changes nothing except your own understanding.
"""

import jax, jax.numpy as jnp
import numpy as np

VOCAB = 1000005  # 1M GloVe words + 5 special tokens (zero rows)
EMBED_DIM = 200
BATCH = 4096
SEQ_LEN = 50
PADDING_INDEX = 0


def setup_inputs(seed: int = 0) -> dict:
    key = jax.random.key(seed)
    k_idx, k_tab = jax.random.split(key)
    # padded token indices (already text->index->pad, per module's forward preprocessing)
    pad_indexes = jax.random.randint(k_idx, (BATCH, SEQ_LEN), 0, VOCAB, dtype=jnp.int32)
    # pretrained embedding table; first 5 rows are the special tokens with all-zero weights,
    # matching `special_weights = [[0.0]*dim]*5` prepended in __init__
    table = jax.random.normal(k_tab, (VOCAB, EMBED_DIM), dtype=jnp.float32) * 0.1
    table = table.at[:5].set(0.0)
    return {"pad_indexes": pad_indexes, "embedding_table": table}


def reference(pad_indexes, embedding_table):
    # nn.Embedding.from_pretrained lookup: vectors = embedding(pad_indexes)
    vectors = jnp.take(embedding_table, pad_indexes, axis=0)
    return vectors

if __name__ == "__main__":
    import jax
    _d = setup_inputs()
    print(jax.jit(kernel)(*tuple(_d.values())))

</pallas_src>

<mosaic_0001>
#map = affine_map<(d0, d1) -> (0, 0)>
module attributes {stable_mosaic.version = 14 : i64} {
  func.func @_detile_right(%arg0: i32, %arg1: i32, %arg2: memref<1000005x200xf32, #tpu.memory_space<hbm>>, %arg3: memref<1000064x128xf32, #tpu.memory_space<hbm>>, %arg4: memref<240x72xf32, #tpu.memory_space<vmem>>, %arg5: memref<240x72xf32, #tpu.memory_space<vmem>>, %arg6: memref<240x128xf32, #tpu.memory_space<vmem>>, %arg7: memref<240x128xf32, #tpu.memory_space<vmem>>, %arg8: memref<!tpu.dma_semaphore, #tpu.memory_space<semaphore_mem>>, %arg9: memref<!tpu.dma_semaphore, #tpu.memory_space<semaphore_mem>>, %arg10: memref<!tpu.dma_semaphore, #tpu.memory_space<semaphore_mem>>, %arg11: memref<!tpu.dma_semaphore, #tpu.memory_space<semaphore_mem>>) attributes {dimension_semantics = [#tpu.dimension_semantics<core_parallel>, #tpu.dimension_semantics<subcore_parallel>], iteration_bounds = array<i64: 2, 16>, scalar_prefetch = 0 : i64, scratch_operands = 8 : i64, tpu.core_type = #tpu.core_type<sc_vector_subcore>, window_params = [{transform_indices = #map}, {transform_indices = #map}]} {
    %mul3A = arith.constant 2 : i32
    %mul3A_0 = arith.muli %arg1, %mul3A : i32
    %add3A = arith.addi %mul3A_0, %arg0 : i32
    %scan3A = arith.constant 0 : i32
    %scan3A_1 = arith.constant 0 : i32
    %scan3A_2 = arith.constant 66 : i32
    %scan3A_3 = arith.addi %scan3A_1, %scan3A_2 : i32
    %scan3A_4 = arith.constant 1 : i32
    scf.for %scan3A_19 = %scan3A_1 to %scan3A_3 step %scan3A_4  : i32 {
      %mul3A_20 = arith.constant 2 : i32
      %mul3A_21 = arith.muli %mul3A_20, %scan3A_19 : i32
      %add3A_22 = arith.constant 0 : i32
      %add3A_23 = arith.addi %mul3A_21, %add3A_22 : i32
      %mul3A_24 = arith.constant 32 : i32
      %mul3A_25 = arith.muli %add3A_23, %mul3A_24 : i32
      %add3A_26 = arith.addi %add3A, %mul3A_25 : i32
      %mul3A_27 = arith.constant 2 : i32
      %mul3A_28 = arith.muli %mul3A_27, %scan3A_19 : i32
      %add3A_29 = arith.constant 1 : i32
      %add3A_30 = arith.addi %mul3A_28, %add3A_29 : i32
      %mul3A_31 = arith.constant 32 : i32
      %mul3A_32 = arith.muli %add3A_30, %mul3A_31 : i32
      %add3A_33 = arith.addi %add3A, %mul3A_32 : i32
      %lt3A = arith.constant 4166 : i32
      %lt3A_34 = arith.cmpi slt, %add3A_26, %lt3A : i32
      %convert_element_type3A_35 = arith.extui %lt3A_34 : i1 to i32
      %cond3A_36 = arith.constant 0 : i32
      %cond3A_37 = arith.cmpi ne, %convert_element_type3A_35, %cond3A_36 : i32
      scf.if %cond3A_37 {
        %mul3A_53 = arith.constant 240 : i32
        %mul3A_54 = arith.muli %add3A_26, %mul3A_53 : i32
        %multiple_of3A = tpu.assume_multiple %mul3A_54, 8 : i32
        %dma_start3A = arith.constant 128 : i32
        %dma_start3A_55 = tpu.memref_slice %arg2[%multiple_of3A, %dma_start3A] : memref<1000005x200xf32, #tpu.memory_space<hbm>> -> memref<240x72xf32, #tpu.memory_space<hbm>>
        %dma_start3A_56 = arith.constant 128 : i32
        %dma_start3A_57 = tpu.memref_slice %arg2[%multiple_of3A, %dma_start3A_56] : memref<1000005x200xf32, #tpu.memory_space<hbm>> -> memref<240x72xf32, #tpu.memory_space<hbm>>
        tpu.enqueue_dma source(%dma_start3A_57 : memref<240x72xf32, #tpu.memory_space<hbm>>) target(%arg4 : memref<240x72xf32, #tpu.memory_space<vmem>>) target_semaphore(%arg8 : memref<!tpu.dma_semaphore, #tpu.memory_space<semaphore_mem>>)
      } else {
      }
      %lt3A_38 = arith.constant 4166 : i32
      %lt3A_39 = arith.cmpi slt, %add3A_33, %lt3A_38 : i32
      %convert_element_type3A_40 = arith.extui %lt3A_39 : i1 to i32
      %cond3A_41 = arith.constant 0 : i32
      %cond3A_42 = arith.cmpi ne, %convert_element_type3A_40, %cond3A_41 : i32
      scf.if %cond3A_42 {
        %mul3A_53 = arith.constant 240 : i32
        %mul3A_54 = arith.muli %add3A_33, %mul3A_53 : i32
        %multiple_of3A = tpu.assume_multiple %mul3A_54, 8 : i32
        %dma_start3A = arith.constant 128 : i32
        %dma_start3A_55 = tpu.memref_slice %arg2[%multiple_of3A, %dma_start3A] : memref<1000005x200xf32, #tpu.memory_space<hbm>> -> memref<240x72xf32, #tpu.memory_space<hbm>>
        %dma_start3A_56 = arith.constant 128 : i32
        %dma_start3A_57 = tpu.memref_slice %arg2[%multiple_of3A, %dma_start3A_56] : memref<1000005x200xf32, #tpu.memory_space<hbm>> -> memref<240x72xf32, #tpu.memory_space<hbm>>
        tpu.enqueue_dma source(%dma_start3A_57 : memref<240x72xf32, #tpu.memory_space<hbm>>) target(%arg5 : memref<240x72xf32, #tpu.memory_space<vmem>>) target_semaphore(%arg9 : memref<!tpu.dma_semaphore, #tpu.memory_space<semaphore_mem>>)
      } else {
      }
      %lt3A_43 = arith.constant 4166 : i32
      %lt3A_44 = arith.cmpi slt, %add3A_26, %lt3A_43 : i32
      %convert_element_type3A_45 = arith.extui %lt3A_44 : i1 to i32
      %cond3A_46 = arith.constant 0 : i32
      %cond3A_47 = arith.cmpi ne, %convert_element_type3A_45, %cond3A_46 : i32
      scf.if %cond3A_47 {
        %dma_wait3A_53 = arith.constant 0 : i32
        %dma_wait3A_54 = arith.constant 128 : i32
        %dma_wait3A_55 = tpu.memref_slice %arg2[%dma_wait3A_53, %dma_wait3A_54] : memref<1000005x200xf32, #tpu.memory_space<hbm>> -> memref<240x72xf32, #tpu.memory_space<hbm>>
        %dma_wait3A_56 = arith.constant 0 : i32
        %dma_wait3A_57 = arith.constant 128 : i32
        %dma_wait3A_58 = tpu.memref_slice %arg2[%dma_wait3A_56, %dma_wait3A_57] : memref<1000005x200xf32, #tpu.memory_space<hbm>> -> memref<240x72xf32, #tpu.memory_space<hbm>>
        tpu.wait_dma2 semaphore(%arg8 : memref<!tpu.dma_semaphore, #tpu.memory_space<semaphore_mem>>) src(%dma_wait3A_58 : memref<240x72xf32, #tpu.memory_space<hbm>>) dst(%arg4 : memref<240x72xf32, #tpu.memory_space<vmem>>)
        %ge3A = arith.constant 1 : i32
        %ge3A_59 = arith.cmpi sge, %scan3A_19, %ge3A : i32
        %convert_element_type3A_60 = arith.extui %ge3A_59 : i1 to i32
        %cond3A_61 = arith.constant 0 : i32
        %cond3A_62 = arith.cmpi ne, %convert_element_type3A_60, %cond3A_61 : i32
        scf.if %cond3A_62 {
          %dma_wait3A_74 = arith.constant 0 : i32
          %dma_wait3A_75 = arith.constant 0 : i32
          %dma_wait3A_76 = tpu.memref_slice %arg3[%dma_wait3A_74, %dma_wait3A_75] : memref<1000064x128xf32, #tpu.memory_space<hbm>> -> memref<240x128xf32, #tpu.memory_space<hbm>>
          %dma_wait3A_77 = arith.constant 0 : i32
          %dma_wait3A_78 = arith.constant 0 : i32
          %dma_wait3A_79 = tpu.memref_slice %arg3[%dma_wait3A_77, %dma_wait3A_78] : memref<1000064x128xf32, #tpu.memory_space<hbm>> -> memref<240x128xf32, #tpu.memory_space<hbm>>
          tpu.wait_dma2 semaphore(%arg10 : memref<!tpu.dma_semaphore, #tpu.memory_space<semaphore_mem>>) src(%dma_wait3A_79 : memref<240x128xf32, #tpu.memory_space<hbm>>) dst(%arg6 : memref<240x128xf32, #tpu.memory_space<vmem>>)
        } else {
        }
        %scan3A_63 = arith.constant 0 : i32
        %scan3A_64 = arith.constant 0 : i32
        %scan3A_65 = arith.constant 240 : i32
        %scan3A_66 = arith.addi %scan3A_64, %scan3A_65 : i32
        %scan3A_67 = arith.constant 1 : i32
        scf.for %scan3A_74 = %scan3A_64 to %scan3A_66 step %scan3A_67  : i32 {
          %get3A = arith.index_cast %scan3A_74 : i32 to index
          %get3A_75 = arith.constant 0 : index
          %get3A_76 = tpu.vector_load %arg4[%get3A, %get3A_75] {strides = array<i32>} : memref<240x72xf32, #tpu.memory_space<vmem>>, vector<16xf32>,
          %swap3A = arith.index_cast %scan3A_74 : i32 to index
          %swap3A_77 = arith.constant 0 : index
          %swap3A_78 = tpu.vector_load %arg6[%swap3A, %swap3A_77] {strides = array<i32>} : memref<240x128xf32, #tpu.memory_space<vmem>>, vector<16xf32>,
          tpu.vector_store %arg6[%swap3A, %swap3A_77], %get3A_76 {strides = array<i32>} : memref<240x128xf32, #tpu.memory_space<vmem>>, vector<16xf32>,
          %get3A_79 = arith.index_cast %scan3A_74 : i32 to index
          %get3A_80 = arith.constant 16 : index
          %get3A_81 = tpu.vector_load %arg4[%get3A_79, %get3A_80] {strides = array<i32>} : memref<240x72xf32, #tpu.memory_space<vmem>>, vector<16xf32>,
          %swap3A_82 = arith.index_cast %scan3A_74 : i32 to index
          %swap3A_83 = arith.constant 16 : index
          %swap3A_84 = tpu.vector_load %arg6[%swap3A_82, %swap3A_83] {strides = array<i32>} : memref<240x128xf32, #tpu.memory_space<vmem>>, vector<16xf32>,
          tpu.vector_store %arg6[%swap3A_82, %swap3A_83], %get3A_81 {strides = array<i32>} : memref<240x128xf32, #tpu.memory_space<vmem>>, vector<16xf32>,
          %get3A_85 = arith.index_cast %scan3A_74 : i32 to index
          %get3A_86 = arith.constant 32 : index
          %get3A_87 = tpu.vector_load %arg4[%get3A_85, %get3A_86] {strides = array<i32>} : memref<240x72xf32, #tpu.memory_space<vmem>>, vector<16xf32>,
          %swap3A_88 = arith.index_cast %scan3A_74 : i32 to index
          %swap3A_89 = arith.constant 32 : index
          %swap3A_90 = tpu.vector_load %arg6[%swap3A_88, %swap3A_89] {strides = array<i32>} : memref<240x128xf32, #tpu.memory_space<vmem>>, vector<16xf32>,
          tpu.vector_store %arg6[%swap3A_88, %swap3A_89], %get3A_87 {strides = array<i32>} : memref<240x128xf32, #tpu.memory_space<vmem>>, vector<16xf32>,
          %get3A_91 = arith.index_cast %scan3A_74 : i32 to index
          %get3A_92 = arith.constant 48 : index
          %get3A_93 = tpu.vector_load %arg4[%get3A_91, %get3A_92] {strides = array<i32>} : memref<240x72xf32, #tpu.memory_space<vmem>>, vector<16xf32>,
          %swap3A_94 = arith.index_cast %scan3A_74 : i32 to index
          %swap3A_95 = arith.constant 48 : index
          %swap3A_96 = tpu.vector_load %arg6[%swap3A_94, %swap3A_95] {strides = array<i32>} : memref<240x128xf32, #tpu.memory_space<vmem>>, vector<16xf32>,
          tpu.vector_store %arg6[%swap3A_94, %swap3A_95], %get3A_93 {strides = array<i32>} : memref<240x128xf32, #tpu.memory_space<vmem>>, vector<16xf32>,
          %iota3A = tpu.iota {dimensions = array<i32: 0>} : vector<16xi32>
          %lt3A_97 = arith.constant 8 : i32
          %lt3A_98 = vector.broadcast %lt3A_97 : i32 to vector<16xi32>
          %lt3A_99 = arith.cmpi slt, %iota3A, %lt3A_98 : vector<16xi32>
          %add3A_100 = arith.constant 64 : i32
          %add3A_101 = vector.broadcast %add3A_100 : i32 to vector<16xi32>
          %add3A_102 = arith.addi %iota3A, %add3A_101 : vector<16xi32>
          %broadcast_in_dim3A = vector.broadcast %scan3A_74 : i32 to vector<16xi32>
          %broadcast_in_dim3A_103 = vector.broadcast %scan3A_74 : i32 to vector<16xi32>
          %add3A_104 = arith.constant 0 : i32
          %add3A_105 = vector.broadcast %add3A_104 : i32 to vector<16xi32>
          %add3A_106 = arith.addi %add3A_102, %add3A_105 : vector<16xi32>
          %gather3A = tpu.vector_load_idx %arg4[%broadcast_in_dim3A, %add3A_102] masked %lt3A_99 : memref<240x72xf32, #tpu.memory_space<vmem>>[vector<16xi32>, vector<16xi32>], vector<16xf32>, vector<16xi1>
          tpu.vector_store_idx %arg6[%broadcast_in_dim3A_103, %add3A_106], %gather3A masked %lt3A_99 : memref<240x128xf32, #tpu.memory_space<vmem>>[vector<16xi32>, vector<16xi32>], vector<16xf32>, vector<16xi1>
        }
        %scan3A_68 = arith.constant 240 : i32
        %mul3A_69 = arith.constant 240 : i32
        %mul3A_70 = arith.muli %add3A_26, %mul3A_69 : i32
        %multiple_of3A = tpu.assume_multiple %mul3A_70, 8 : i32
        %dma_start3A = arith.constant 0 : i32
        %dma_start3A_71 = tpu.memref_slice %arg3[%multiple_of3A, %dma_start3A] : memref<1000064x128xf32, #tpu.memory_space<hbm>> -> memref<240x128xf32, #tpu.memory_space<hbm>>
        %dma_start3A_72 = arith.constant 0 : i32
        %dma_start3A_73 = tpu.memref_slice %arg3[%multiple_of3A, %dma_start3A_72] : memref<1000064x128xf32, #tpu.memory_space<hbm>> -> memref<240x128xf32, #tpu.memory_space<hbm>>
        tpu.enqueue_dma source(%arg6 : memref<240x128xf32, #tpu.memory_space<vmem>>) target(%dma_start3A_73 : memref<240x128xf32, #tpu.memory_space<hbm>>) target_semaphore(%arg10 : memref<!tpu.dma_semaphore, #tpu.memory_space<semaphore_mem>>)
      } else {
      }
      %lt3A_48 = arith.constant 4166 : i32
      %lt3A_49 = arith.cmpi slt, %add3A_33, %lt3A_48 : i32
      %convert_element_type3A_50 = arith.extui %lt3A_49 : i1 to i32
      %cond3A_51 = arith.constant 0 : i32
      %cond3A_52 = arith.cmpi ne, %convert_element_type3A_50, %cond3A_51 : i32
      scf.if %cond3A_52 {
        %dma_wait3A_53 = arith.constant 0 : i32
        %dma_wait3A_54 = arith.constant 128 : i32
        %dma_wait3A_55 = tpu.memref_slice %arg2[%dma_wait3A_53, %dma_wait3A_54] : memref<1000005x200xf32, #tpu.memory_space<hbm>> -> memref<240x72xf32, #tpu.memory_space<hbm>>
        %dma_wait3A_56 = arith.constant 0 : i32
        %dma_wait3A_57 = arith.constant 128 : i32
        %dma_wait3A_58 = tpu.memref_slice %arg2[%dma_wait3A_56, %dma_wait3A_57] : memref<1000005x200xf32, #tpu.memory_space<hbm>> -> memref<240x72xf32, #tpu.memory_space<hbm>>
        tpu.wait_dma2 semaphore(%arg9 : memref<!tpu.dma_semaphore, #tpu.memory_space<semaphore_mem>>) src(%dma_wait3A_58 : memref<240x72xf32, #tpu.memory_space<hbm>>) dst(%arg5 : memref<240x72xf32, #tpu.memory_space<vmem>>)
        %ge3A = arith.constant 1 : i32
        %ge3A_59 = arith.cmpi sge, %scan3A_19, %ge3A : i32
        %convert_element_type3A_60 = arith.extui %ge3A_59 : i1 to i32
        %cond3A_61 = arith.constant 0 : i32
        %cond3A_62 = arith.cmpi ne, %convert_element_type3A_60, %cond3A_61 : i32
        scf.if %cond3A_62 {
          %dma_wait3A_74 = arith.constant 0 : i32
          %dma_wait3A_75 = arith.constant 0 : i32
          %dma_wait3A_76 = tpu.memref_slice %arg3[%dma_wait3A_74, %dma_wait3A_75] : memref<1000064x128xf32, #tpu.memory_space<hbm>> -> memref<240x128xf32, #tpu.memory_space<hbm>>
          %dma_wait3A_77 = arith.constant 0 : i32
          %dma_wait3A_78 = arith.constant 0 : i32
          %dma_wait3A_79 = tpu.memref_slice %arg3[%dma_wait3A_77, %dma_wait3A_78] : memref<1000064x128xf32, #tpu.memory_space<hbm>> -> memref<240x128xf32, #tpu.memory_space<hbm>>
          tpu.wait_dma2 semaphore(%arg11 : memref<!tpu.dma_semaphore, #tpu.memory_space<semaphore_mem>>) src(%dma_wait3A_79 : memref<240x128xf32, #tpu.memory_space<hbm>>) dst(%arg7 : memref<240x128xf32, #tpu.memory_space<vmem>>)
        } else {
        }
        %scan3A_63 = arith.constant 0 : i32
        %scan3A_64 = arith.constant 0 : i32
        %scan3A_65 = arith.constant 240 : i32
        %scan3A_66 = arith.addi %scan3A_64, %scan3A_65 : i32
        %scan3A_67 = arith.constant 1 : i32
        scf.for %scan3A_74 = %scan3A_64 to %scan3A_66 step %scan3A_67  : i32 {
          %get3A = arith.index_cast %scan3A_74 : i32 to index
          %get3A_75 = arith.constant 0 : index
          %get3A_76 = tpu.vector_load %arg5[%get3A, %get3A_75] {strides = array<i32>} : memref<240x72xf32, #tpu.memory_space<vmem>>, vector<16xf32>,
          %swap3A = arith.index_cast %scan3A_74 : i32 to index
          %swap3A_77 = arith.constant 0 : index
          %swap3A_78 = tpu.vector_load %arg7[%swap3A, %swap3A_77] {strides = array<i32>} : memref<240x128xf32, #tpu.memory_space<vmem>>, vector<16xf32>,
          tpu.vector_store %arg7[%swap3A, %swap3A_77], %get3A_76 {strides = array<i32>} : memref<240x128xf32, #tpu.memory_space<vmem>>, vector<16xf32>,
          %get3A_79 = arith.index_cast %scan3A_74 : i32 to index
          %get3A_80 = arith.constant 16 : index
          %get3A_81 = tpu.vector_load %arg5[%get3A_79, %get3A_80] {strides = array<i32>} : memref<240x72xf32, #tpu.memory_space<vmem>>, vector<16xf32>,
          %swap3A_82 = arith.index_cast %scan3A_74 : i32 to index
          %swap3A_83 = arith.constant 16 : index
          %swap3A_84 = tpu.vector_load %arg7[%swap3A_82, %swap3A_83] {strides = array<i32>} : memref<240x128xf32, #tpu.memory_space<vmem>>, vector<16xf32>,
          tpu.vector_store %arg7[%swap3A_82, %swap3A_83], %get3A_81 {strides = array<i32>} : memref<240x128xf32, #tpu.memory_space<vmem>>, vector<16xf32>,
          %get3A_85 = arith.index_cast %scan3A_74 : i32 to index
          %get3A_86 = arith.constant 32 : index
          %get3A_87 = tpu.vector_load %arg5[%get3A_85, %get3A_86] {strides = array<i32>} : memref<240x72xf32, #tpu.memory_space<vmem>>, vector<16xf32>,
          %swap3A_88 = arith.index_cast %scan3A_74 : i32 to index
          %swap3A_89 = arith.constant 32 : index
          %swap3A_90 = tpu.vector_load %arg7[%swap3A_88, %swap3A_89] {strides = array<i32>} : memref<240x128xf32, #tpu.memory_space<vmem>>, vector<16xf32>,
          tpu.vector_store %arg7[%swap3A_88, %swap3A_89], %get3A_87 {strides = array<i32>} : memref<240x128xf32, #tpu.memory_space<vmem>>, vector<16xf32>,
          %get3A_91 = arith.index_cast %scan3A_74 : i32 to index
          %get3A_92 = arith.constant 48 : index
          %get3A_93 = tpu.vector_load %arg5[%get3A_91, %get3A_92] {strides = array<i32>} : memref<240x72xf32, #tpu.memory_space<vmem>>, vector<16xf32>,
          %swap3A_94 = arith.index_cast %scan3A_74 : i32 to index
          %swap3A_95 = arith.constant 48 : index
          %swap3A_96 = tpu.vector_load %arg7[%swap3A_94, %swap3A_95] {strides = array<i32>} : memref<240x128xf32, #tpu.memory_space<vmem>>, vector<16xf32>,
          tpu.vector_store %arg7[%swap3A_94, %swap3A_95], %get3A_93 {strides = array<i32>} : memref<240x128xf32, #tpu.memory_space<vmem>>, vector<16xf32>,
          %iota3A = tpu.iota {dimensions = array<i32: 0>} : vector<16xi32>
          %lt3A_97 = arith.constant 8 : i32
          %lt3A_98 = vector.broadcast %lt3A_97 : i32 to vector<16xi32>
          %lt3A_99 = arith.cmpi slt, %iota3A, %lt3A_98 : vector<16xi32>
          %add3A_100 = arith.constant 64 : i32
          %add3A_101 = vector.broadcast %add3A_100 : i32 to vector<16xi32>
          %add3A_102 = arith.addi %iota3A, %add3A_101 : vector<16xi32>
          %broadcast_in_dim3A = vector.broadcast %scan3A_74 : i32 to vector<16xi32>
          %broadcast_in_dim3A_103 = vector.broadcast %scan3A_74 : i32 to vector<16xi32>
          %add3A_104 = arith.constant 0 : i32
          %add3A_105 = vector.broadcast %add3A_104 : i32 to vector<16xi32>
          %add3A_106 = arith.addi %add3A_102, %add3A_105 : vector<16xi32>
          %gather3A = tpu.vector_load_idx %arg5[%broadcast_in_dim3A, %add3A_102] masked %lt3A_99 : memref<240x72xf32, #tpu.memory_space<vmem>>[vector<16xi32>, vector<16xi32>], vector<16xf32>, vector<16xi1>
          tpu.vector_store_idx %arg7[%broadcast_in_dim3A_103, %add3A_106], %gather3A masked %lt3A_99 : memref<240x128xf32, #tpu.memory_space<vmem>>[vector<16xi32>, vector<16xi32>], vector<16xf32>, vector<16xi1>
        }
        %scan3A_68 = arith.constant 240 : i32
        %mul3A_69 = arith.constant 240 : i32
        %mul3A_70 = arith.muli %add3A_33, %mul3A_69 : i32
        %multiple_of3A = tpu.assume_multiple %mul3A_70, 8 : i32
        %dma_start3A = arith.constant 0 : i32
        %dma_start3A_71 = tpu.memref_slice %arg3[%multiple_of3A, %dma_start3A] : memref<1000064x128xf32, #tpu.memory_space<hbm>> -> memref<240x128xf32, #tpu.memory_space<hbm>>
        %dma_start3A_72 = arith.constant 0 : i32
        %dma_start3A_73 = tpu.memref_slice %arg3[%multiple_of3A, %dma_start3A_72] : memref<1000064x128xf32, #tpu.memory_space<hbm>> -> memref<240x128xf32, #tpu.memory_space<hbm>>
        tpu.enqueue_dma source(%arg7 : memref<240x128xf32, #tpu.memory_space<vmem>>) target(%dma_start3A_73 : memref<240x128xf32, #tpu.memory_space<hbm>>) target_semaphore(%arg11 : memref<!tpu.dma_semaphore, #tpu.memory_space<semaphore_mem>>)
      } else {
      }
    }
    %scan3A_5 = arith.constant 66 : i32
    %dma_wait3A = arith.constant 0 : i32
    %dma_wait3A_6 = arith.constant 0 : i32
    %dma_wait3A_7 = tpu.memref_slice %arg3[%dma_wait3A, %dma_wait3A_6] : memref<1000064x128xf32, #tpu.memory_space<hbm>> -> memref<240x128xf32, #tpu.memory_space<hbm>>
    %dma_wait3A_8 = arith.constant 0 : i32
    %dma_wait3A_9 = arith.constant 0 : i32
    %dma_wait3A_10 = tpu.memref_slice %arg3[%dma_wait3A_8, %dma_wait3A_9] : memref<1000064x128xf32, #tpu.memory_space<hbm>> -> memref<240x128xf32, #tpu.memory_space<hbm>>
    tpu.wait_dma2 semaphore(%arg10 : memref<!tpu.dma_semaphore, #tpu.memory_space<semaphore_mem>>) src(%dma_wait3A_10 : memref<240x128xf32, #tpu.memory_space<hbm>>) dst(%arg6 : memref<240x128xf32, #tpu.memory_space<vmem>>)
    %dma_wait3A_11 = arith.constant 0 : i32
    %dma_wait3A_12 = arith.constant 0 : i32
    %dma_wait3A_13 = tpu.memref_slice %arg3[%dma_wait3A_11, %dma_wait3A_12] : memref<1000064x128xf32, #tpu.memory_space<hbm>> -> memref<240x128xf32, #tpu.memory_space<hbm>>
    %dma_wait3A_14 = arith.constant 0 : i32
    %dma_wait3A_15 = arith.constant 0 : i32
    %dma_wait3A_16 = tpu.memref_slice %arg3[%dma_wait3A_14, %dma_wait3A_15] : memref<1000064x128xf32, #tpu.memory_space<hbm>> -> memref<240x128xf32, #tpu.memory_space<hbm>>
    tpu.wait_dma2 semaphore(%arg11 : memref<!tpu.dma_semaphore, #tpu.memory_space<semaphore_mem>>) src(%dma_wait3A_16 : memref<240x128xf32, #tpu.memory_space<hbm>>) dst(%arg7 : memref<240x128xf32, #tpu.memory_space<vmem>>)
    %eq3A = arith.constant 0 : i32
    %eq3A_17 = arith.cmpi eq, %add3A, %eq3A : i32
    %convert_element_type3A = arith.extui %eq3A_17 : i1 to i32
    %cond3A = arith.constant 0 : i32
    %cond3A_18 = arith.cmpi ne, %convert_element_type3A, %cond3A : i32
    scf.if %cond3A_18 {
      %add3A_19 = arith.constant 999840 : i32
      %add3A_20 = arith.addi %add3A, %add3A_19 : i32
      %multiple_of3A = tpu.assume_multiple %add3A_20, 8 : i32
      %dma_start3A = arith.constant 0 : i32
      %dma_start3A_21 = arith.constant 0 : i32
      %dma_start3A_22 = tpu.memref_slice %arg4[%dma_start3A, %dma_start3A_21] : memref<240x72xf32, #tpu.memory_space<vmem>> -> memref<168x72xf32, #tpu.memory_space<vmem>>
      %dma_start3A_23 = arith.constant 128 : i32
      %dma_start3A_24 = tpu.memref_slice %arg2[%multiple_of3A, %dma_start3A_23] : memref<1000005x200xf32, #tpu.memory_space<hbm>> -> memref<168x72xf32, #tpu.memory_space<hbm>>
      %dma_start3A_25 = arith.constant 0 : i32
      %dma_start3A_26 = arith.constant 0 : i32
      %dma_start3A_27 = tpu.memref_slice %arg4[%dma_start3A_25, %dma_start3A_26] : memref<240x72xf32, #tpu.memory_space<vmem>> -> memref<168x72xf32, #tpu.memory_space<vmem>>
      %dma_start3A_28 = arith.constant 128 : i32
      %dma_start3A_29 = tpu.memref_slice %arg2[%multiple_of3A, %dma_start3A_28] : memref<1000005x200xf32, #tpu.memory_space<hbm>> -> memref<168x72xf32, #tpu.memory_space<hbm>>
      tpu.enqueue_dma source(%dma_start3A_29 : memref<168x72xf32, #tpu.memory_space<hbm>>) target(%dma_start3A_27 : memref<168x72xf32, #tpu.memory_space<vmem>>) target_semaphore(%arg8 : memref<!tpu.dma_semaphore, #tpu.memory_space<semaphore_mem>>)
      %dma_wait3A_30 = arith.constant 0 : i32
      %dma_wait3A_31 = arith.constant 0 : i32
      %dma_wait3A_32 = tpu.memref_slice %arg4[%dma_wait3A_30, %dma_wait3A_31] : memref<240x72xf32, #tpu.memory_space<vmem>> -> memref<168x72xf32, #tpu.memory_space<vmem>>
      %dma_wait3A_33 = arith.constant 128 : i32
      %dma_wait3A_34 = tpu.memref_slice %arg2[%multiple_of3A, %dma_wait3A_33] : memref<1000005x200xf32, #tpu.memory_space<hbm>> -> memref<168x72xf32, #tpu.memory_space<hbm>>
      %dma_wait3A_35 = arith.constant 0 : i32
      %dma_wait3A_36 = arith.constant 0 : i32
      %dma_wait3A_37 = tpu.memref_slice %arg4[%dma_wait3A_35, %dma_wait3A_36] : memref<240x72xf32, #tpu.memory_space<vmem>> -> memref<168x72xf32, #tpu.memory_space<vmem>>
      %dma_wait3A_38 = arith.constant 128 : i32
      %dma_wait3A_39 = tpu.memref_slice %arg2[%multiple_of3A, %dma_wait3A_38] : memref<1000005x200xf32, #tpu.memory_space<hbm>> -> memref<168x72xf32, #tpu.memory_space<hbm>>
      tpu.wait_dma2 semaphore(%arg8 : memref<!tpu.dma_semaphore, #tpu.memory_space<semaphore_mem>>) src(%dma_wait3A_39 : memref<168x72xf32, #tpu.memory_space<hbm>>) dst(%dma_wait3A_37 : memref<168x72xf32, #tpu.memory_space<vmem>>)
      %scan3A_40 = arith.constant 0 : i32
      %scan3A_41 = arith.constant 0 : i32
      %scan3A_42 = arith.constant 168 : i32
      %scan3A_43 = arith.addi %scan3A_41, %scan3A_42 : i32
      %scan3A_44 = arith.constant 1 : i32
      scf.for %scan3A_70 = %scan3A_41 to %scan3A_43 step %scan3A_44  : i32 {
        %get3A = arith.index_cast %scan3A_70 : i32 to index
        %get3A_71 = arith.constant 0 : index
        %get3A_72 = tpu.vector_load %arg4[%get3A, %get3A_71] {strides = array<i32>} : memref<240x72xf32, #tpu.memory_space<vmem>>, vector<16xf32>,
        %swap3A = arith.index_cast %scan3A_70 : i32 to index
        %swap3A_73 = arith.constant 0 : index
        %swap3A_74 = tpu.vector_load %arg6[%swap3A, %swap3A_73] {strides = array<i32>} : memref<240x128xf32, #tpu.memory_space<vmem>>, vector<16xf32>,
        tpu.vector_store %arg6[%swap3A, %swap3A_73], %get3A_72 {strides = array<i32>} : memref<240x128xf32, #tpu.memory_space<vmem>>, vector<16xf32>,
        %get3A_75 = arith.index_cast %scan3A_70 : i32 to index
        %get3A_76 = arith.constant 16 : index
        %get3A_77 = tpu.vector_load %arg4[%get3A_75, %get3A_76] {strides = array<i32>} : memref<240x72xf32, #tpu.memory_space<vmem>>, vector<16xf32>,
        %swap3A_78 = arith.index_cast %scan3A_70 : i32 to index
        %swap3A_79 = arith.constant 16 : index
        %swap3A_80 = tpu.vector_load %arg6[%swap3A_78, %swap3A_79] {strides = array<i32>} : memref<240x128xf32, #tpu.memory_space<vmem>>, vector<16xf32>,
        tpu.vector_store %arg6[%swap3A_78, %swap3A_79], %get3A_77 {strides = array<i32>} : memref<240x128xf32, #tpu.memory_space<vmem>>, vector<16xf32>,
        %get3A_81 = arith.index_cast %scan3A_70 : i32 to index
        %get3A_82 = arith.constant 32 : index
        %get3A_83 = tpu.vector_load %arg4[%get3A_81, %get3A_82] {strides = array<i32>} : memref<240x72xf32, #tpu.memory_space<vmem>>, vector<16xf32>,
        %swap3A_84 = arith.index_cast %scan3A_70 : i32 to index
        %swap3A_85 = arith.constant 32 : index
        %swap3A_86 = tpu.vector_load %arg6[%swap3A_84, %swap3A_85] {strides = array<i32>} : memref<240x128xf32, #tpu.memory_space<vmem>>, vector<16xf32>,
        tpu.vector_store %arg6[%swap3A_84, %swap3A_85], %get3A_83 {strides = array<i32>} : memref<240x128xf32, #tpu.memory_space<vmem>>, vector<16xf32>,
        %get3A_87 = arith.index_cast %scan3A_70 : i32 to index
        %get3A_88 = arith.constant 48 : index
        %get3A_89 = tpu.vector_load %arg4[%get3A_87, %get3A_88] {strides = array<i32>} : memref<240x72xf32, #tpu.memory_space<vmem>>, vector<16xf32>,
        %swap3A_90 = arith.index_cast %scan3A_70 : i32 to index
        %swap3A_91 = arith.constant 48 : index
        %swap3A_92 = tpu.vector_load %arg6[%swap3A_90, %swap3A_91] {strides = array<i32>} : memref<240x128xf32, #tpu.memory_space<vmem>>, vector<16xf32>,
        tpu.vector_store %arg6[%swap3A_90, %swap3A_91], %get3A_89 {strides = array<i32>} : memref<240x128xf32, #tpu.memory_space<vmem>>, vector<16xf32>,
        %iota3A = tpu.iota {dimensions = array<i32: 0>} : vector<16xi32>
        %lt3A = arith.constant 8 : i32
        %lt3A_93 = vector.broadcast %lt3A : i32 to vector<16xi32>
        %lt3A_94 = arith.cmpi slt, %iota3A, %lt3A_93 : vector<16xi32>
        %add3A_95 = arith.constant 64 : i32
        %add3A_96 = vector.broadcast %add3A_95 : i32 to vector<16xi32>
        %add3A_97 = arith.addi %iota3A, %add3A_96 : vector<16xi32>
        %broadcast_in_dim3A = vector.broadcast %scan3A_70 : i32 to vector<16xi32>
        %broadcast_in_dim3A_98 = vector.broadcast %scan3A_70 : i32 to vector<16xi32>
        %add3A_99 = arith.constant 0 : i32
        %add3A_100 = vector.broadcast %add3A_99 : i32 to vector<16xi32>
        %add3A_101 = arith.addi %add3A_97, %add3A_100 : vector<16xi32>
        %gather3A = tpu.vector_load_idx %arg4[%broadcast_in_dim3A, %add3A_97] masked %lt3A_94 : memref<240x72xf32, #tpu.memory_space<vmem>>[vector<16xi32>, vector<16xi32>], vector<16xf32>, vector<16xi1>
        tpu.vector_store_idx %arg6[%broadcast_in_dim3A_98, %add3A_101], %gather3A masked %lt3A_94 : memref<240x128xf32, #tpu.memory_space<vmem>>[vector<16xi32>, vector<16xi32>], vector<16xf32>, vector<16xi1>
      }
      %scan3A_45 = arith.constant 168 : i32
      %dma_start3A_46 = arith.constant 0 : i32
      %dma_start3A_47 = arith.constant 0 : i32
      %dma_start3A_48 = tpu.memref_slice %arg6[%dma_start3A_46, %dma_start3A_47] : memref<240x128xf32, #tpu.memory_space<vmem>> -> memref<168x128xf32, #tpu.memory_space<vmem>>
      %dma_start3A_49 = arith.constant 999840 : i32
      %dma_start3A_50 = arith.constant 0 : i32
      %dma_start3A_51 = tpu.memref_slice %arg3[%dma_start3A_49, %dma_start3A_50] : memref<1000064x128xf32, #tpu.memory_space<hbm>> -> memref<168x128xf32, #tpu.memory_space<hbm>>
      %dma_start3A_52 = arith.constant 999840 : i32
      %dma_start3A_53 = arith.constant 0 : i32
      %dma_start3A_54 = tpu.memref_slice %arg3[%dma_start3A_52, %dma_start3A_53] : memref<1000064x128xf32, #tpu.memory_space<hbm>> -> memref<168x128xf32, #tpu.memory_space<hbm>>
      %dma_start3A_55 = arith.constant 0 : i32
      %dma_start3A_56 = arith.constant 0 : i32
      %dma_start3A_57 = tpu.memref_slice %arg6[%dma_start3A_55, %dma_start3A_56] : memref<240x128xf32, #tpu.memory_space<vmem>> -> memref<168x128xf32, #tpu.memory_space<vmem>>
      tpu.enqueue_dma source(%dma_start3A_57 : memref<168x128xf32, #tpu.memory_space<vmem>>) target(%dma_start3A_54 : memref<168x128xf32, #tpu.memory_space<hbm>>) target_semaphore(%arg10 : memref<!tpu.dma_semaphore, #tpu.memory_space<semaphore_mem>>)
      %dma_wait3A_58 = arith.constant 0 : i32
      %dma_wait3A_59 = arith.constant 0 : i32
      %dma_wait3A_60 = tpu.memref_slice %arg6[%dma_wait3A_58, %dma_wait3A_59] : memref<240x128xf32, #tpu.memory_space<vmem>> -> memref<168x128xf32, #tpu.memory_space<vmem>>
      %dma_wait3A_61 = arith.constant 999840 : i32
      %dma_wait3A_62 = arith.constant 0 : i32
      %dma_wait3A_63 = tpu.memref_slice %arg3[%dma_wait3A_61, %dma_wait3A_62] : memref<1000064x128xf32, #tpu.memory_space<hbm>> -> memref<168x128xf32, #tpu.memory_space<hbm>>
      %dma_wait3A_64 = arith.constant 999840 : i32
      %dma_wait3A_65 = arith.constant 0 : i32
      %dma_wait3A_66 = tpu.memref_slice %arg3[%dma_wait3A_64, %dma_wait3A_65] : memref<1000064x128xf32, #tpu.memory_space<hbm>> -> memref<168x128xf32, #tpu.memory_space<hbm>>
      %dma_wait3A_67 = arith.constant 0 : i32
      %dma_wait3A_68 = arith.constant 0 : i32
      %dma_wait3A_69 = tpu.memref_slice %arg6[%dma_wait3A_67, %dma_wait3A_68] : memref<240x128xf32, #tpu.memory_space<vmem>> -> memref<168x128xf32, #tpu.memory_space<vmem>>
      tpu.wait_dma2 semaphore(%arg10 : memref<!tpu.dma_semaphore, #tpu.memory_space<semaphore_mem>>) src(%dma_wait3A_69 : memref<168x128xf32, #tpu.memory_space<vmem>>) dst(%dma_wait3A_66 : memref<168x128xf32, #tpu.memory_space<hbm>>)
    } else {
    }
    return
  }
}

</mosaic_0001>

<sc_bundles>
// kernel: kernel.3.cloned.1.call-start
scs
__scs_entry_jumppad:
0x0: {  	(pc) =	sbr.rel $0x88, $3  }
0x1: {  	(tag) =	ssettag $0x0;
	lr =	simm.s32 $0x1  }
0x2: {  	[smem:$0x3FA0] =	sst lr;
	_ =	strace $0xD0000000  }
0x3: {  	_ = 	snop  }
0x4: {  	_ = 	snop  }
0x5: {  	_ = 	snop  }
0x6: {  	_ = 	snop  }
0x7: {  	_ = 	snop  }
__scs_overlays_trampoline_lowered:
0x8: {  	[smem:$0x3FAF] =	sst s0  }
0x9: {  	[smem:$0x3FB0] =	sst s1  }
0xa: {  	[smem:$0x3FB1] =	sst s2  }
0xb: {  	[smem:$0x3FB2] =	sst s3  }
0xc: {  	[smem:$0x3FB3] =	sst s4  }
0xd: {  	[smem:$0x3FB4] =	sst s5  }
0xe: {  	[smem:$0x3FB5] =	sst s6  }
0xf: {  	[smem:$0x3FB6] =	sst s7  }
0x10: {  	[smem:$0x3FB7] =	sst s8  }
0x11: {  	[smem:$0x3FB8] =	sst s9;
	s0 =	simm.s32 @!p0 $0x0  }
0x12: {  	s1 =	sld [smem:$0x3F9E];
	s0 =	simm.s32 @p0 $0x1  }
0x13: {  	[smem:$0x3FB9] =	sst s0;
	s0 =	simm.s32 @!p1 $0x0  }
0x14: {  	s2 =	sld [smem:$0x3F9D];
	s0 =	simm.s32 @p1 $0x1  }
0x15: {  	[smem:$0x3FBA] =	sst s0;
	s0 =	simm.s32 @!p2 $0x0  }
0x16: {  	s3 =	sld [smem:$0x3FDB];
	s0 =	simm.s32 @p2 $0x1  }
0x17: {  	s4 =	simm.s32 $0x1BF5;
	[smem:$0x3FBC] =	sst s0  }
0x18: {  	s0 =	sld [smem:$0x3F9F];
	_ =	swait.ge [sflag:s4], $0x0  }
0x19: {  	s7 =	sld [smem:$0x3FA0]  }
0x1a: {  	s8 =	sadd.s32 $0xFFFFE003, lr  }
0x1b: {  	s9 =	sadd.s32 $0xFFFFFEF7, lr;
	s5 =	simm.s32 $0xFFFFFFFF;
	p2 =	slt.u32 s8, $0xFFFFF086  }
0x1c: {  	p1 =	slt.u32 s9, $0xF7A;
	s5 =	simm.s32 @!p2 $0x0  }
0x1d: {  	s5 =	simm.s32 @p1 $0x1;
	p0 =	seq.s32 s7, s2  }
0x1e: {  	s7 =	smul.u32 @!p0 $0xF7A, s2;
	p2 =	seq.s32 @!p0 s5, $0x0  }
0x1f: {  	s9 =	smul.u32 $0xF7A, s1;
	s8 =	simm.s32 @!p0 $0x1BF5;
	p2 =	por !p2, p0  }
0x20: {  	[sflag:s8] =	ssyncset.s32 @!p0 $0xFFFFF086;
	s6 =	sadd.s32 @!p0 s3, s7;
	s7 =	simm.s32 @!p0 $0x108  }
0x21: {  	s3 =	sadd.s32 s3, s9;
	s6 =	sadd.s32 @!p0 $0x88, s6;
	s7 =	simm.s32 @p2 $0x1082  }
0x22: {  	[simem:s7], [sflag:s8] =	dma.local @!p0 [hbm:s6], $0xF7A  }
0x23: {  	s9 =	sor.u32 $0xD0000000, s2;
	s6 =	simm.s32 $0x108;
	_ =	swait.ge @!p0 [sflag:s8], $0x0  }
0x24: {  	s3 =	sadd.s32 $0x88, s3;
	s6 =	simm.s32 @!p1 $0x1082;
	[sflag:s4] =	ssyncset.s32 $0xFFFFF086  }
0x25: {  	[simem:s6], [sflag:s4] =	dma.local [hbm:s3], $0xF7A  }
0x26: {  	[smem:$0x3FA0] =	sst s1;
	(tag) =	ssettag s2;
	_ =	strace s9  }
0x27: {  	s1 =	sld [smem:$0x3FB0]  }
0x28: {  	s2 =	sld [smem:$0x3FB1]  }
0x29: {  	s4 =	sld [smem:$0x3FB3]  }
0x2a: {  	p0 =	seq.s32 s5, $0x0;
	s5 =	sld [smem:$0x3FB4]  }
0x2b: {  	s6 =	sld [smem:$0x3FB5]  }
0x2c: {  	s7 =	sld [smem:$0x3FB6]  }
0x2d: {  	s3 =	simm.s32 $0x108;
	s8 =	sld [smem:$0x3FB7]  }
0x2e: {  	s3 =	simm.s32 @!p0 $0x1082;
	s9 =	sld [smem:$0x3FB8]  }
0x2f: {  	lr =	sadd.s32 s0, s3;
	s0 =	sld [smem:$0x3FAF]  }
0x30: {  	s3 =	sld [smem:$0x3FB2]  }
0x31: {  	[smem:$0x3FBB] =	sst s10  }
0x32: {  	s10 =	sld [smem:$0x3FB9];
	_ =	sdelay $0x3  }
0x33: {  	p0 =	seq.s32 s10, $0x1;
	s10 =	sld [smem:$0x3FBB];
	_ =	sdelay $0x3  }
0x34: {  	[smem:$0x3FBB] =	sst s10  }
0x35: {  	s10 =	sld [smem:$0x3FBA];
	_ =	sdelay $0x3  }
0x36: {  	p1 =	seq.s32 s10, $0x1;
	s10 =	sld [smem:$0x3FBB];
	_ =	sdelay $0x3  }
0x37: {  	[smem:$0x3FBB] =	sst s10  }
0x38: {  	s10 =	sld [smem:$0x3FBC]  }
0x39: {  	_ = 	snop;
	(pc) =	sbr.ind lr, $3  }
0x3a: {  	_ = 	snop  }
0x3b: {  	_ = 	snop  }
0x3c: {  	p2 =	seq.s32 s10, $0x1;
	s10 =	sld [smem:$0x3FBB]  }
0x3d: {  	_ =	shalt  }
0x3e: {  	_ =	shalt  }
0x3f: {  	_ =	shalt  }
0x40: {  	_ =	shalt  }
0x41: {  	_ =	shalt  }
0x42: {  	_ =	shalt  }
0x43: {  	_ =	shalt  }
0x44: {  	_ =	shalt  }
0x45: {  	_ =	shalt  }
0x46: {  	_ =	shalt  }
0x47: {  	_ =	shalt  }
0x48: {  	_ =	shalt  }
0x49: {  	_ =	shalt  }
0x4a: {  	_ =	shalt  }
0x4b: {  	_ =	shalt  }
0x4c: {  	_ =	shalt  }
0x4d: {  	_ =	shalt  }
0x4e: {  	_ =	shalt  }
0x4f: {  	_ =	shalt  }
0x50: {  	_ =	shalt  }
0x51: {  	_ =	shalt  }
0x52: {  	_ =	shalt  }
0x53: {  	_ =	shalt  }
0x54: {  	_ =	shalt  }
0x55: {  	_ =	shalt  }
0x56: {  	_ =	shalt  }
0x57: {  	_ =	shalt  }
0x58: {  	_ =	shalt  }
0x59: {  	_ =	shalt  }
0x5a: {  	_ =	shalt  }
0x5b: {  	_ =	shalt  }
0x5c: {  	_ =	shalt  }
0x5d: {  	_ =	shalt  }
0x5e: {  	_ =	shalt  }
0x5f: {  	_ =	shalt  }
0x60: {  	_ =	shalt  }
0x61: {  	_ =	shalt  }
0x62: {  	_ =	shalt  }
0x63: {  	_ =	shalt  }
0x64: {  	_ =	shalt  }
0x65: {  	_ =	shalt  }
0x66: {  	_ =	shalt  }
0x67: {  	_ =	shalt  }
0x68: {  	_ =	shalt  }
0x69: {  	_ =	shalt  }
0x6a: {  	_ =	shalt  }
0x6b: {  	_ =	shalt  }
0x6c: {  	_ =	shalt  }
0x6d: {  	_ =	shalt  }
0x6e: {  	_ =	shalt  }
0x6f: {  	_ =	shalt  }
0x70: {  	_ =	shalt  }
0x71: {  	_ =	shalt  }
0x72: {  	_ =	shalt  }
0x73: {  	_ =	shalt  }
0x74: {  	_ =	shalt  }
0x75: {  	_ =	shalt  }
0x76: {  	_ =	shalt  }
0x77: {  	_ =	shalt  }
0x78: {  	_ =	shalt  }
0x79: {  	_ =	shalt  }
0x7a: {  	_ =	shalt  }
0x7b: {  	_ =	shalt  }
0x7c: {  	_ =	shalt  }
0x7d: {  	_ =	shalt  }
0x7e: {  	_ =	shalt  }
0x7f: {  	_ =	shalt  }
0x80: {  	_ =	shalt  }
0x81: {  	_ =	shalt  }
0x82: {  	_ =	shalt  }
0x83: {  	_ =	shalt  }
0x84: {  	_ =	shalt  }
0x85: {  	_ =	shalt  }
0x86: {  	_ =	shalt  }
0x87: {  	_ =	shalt  }
.Lfunc_end0:
.L_simem_size_0:
called_computation_lowered:
.L_overlay_start_0:
0x88: {  	s2 =	sld [smem:$0x3FD9]  }
0x89: {  	s3 =	sld [smem:$0x3FFE];
	_ =	sdelay $0x1  }
0x8a: {  	s1 =	srdreg.scid  }
0x8b: {  	s0 =	sand.u32 $0x1, s1  }
0x8c: {  	s16 =	sshll.u32 s0, $0xA;
	s2 =	sadd.s32 s3, s2  }
0x8d: {  	s2 =	sadd.s32 s2, s16  }
0x8e: {  	[smem:$0x3FC7] =	sst s2  }
0x8f: {  	_ = 	snop  }
0x90: {  	(tm) =	ssettm $0x1  }
0x91: {  	s17 =	sld [smem:$0x3FFB];
	_ =	sdelay $0x3  }
0x92: {  	_ =	strace s17  }
0x93: {  	s2 =	sld [smem:$0x3FFC];
	_ =	sdelay $0x3  }
0x94: {  	_ =	strace s2  }
0x95: {  	s2 =	sld [smem:$0x3FFD];
	_ =	sdelay $0x3  }
0x96: {  	_ =	strace s2  }
0x97: {  	_ =	strace $0x8FFFFFFF  }
0x98: {  	s18 =	sld [smem:$0x3FDB];
	_ =	sdelay $0x1  }
0x99: {  	s19 =	simm.s32 $_scs_section_size  }
0x9a: {  	s4 =	simm.s32 $_size__tile_overlayer_lowered;
	s5 =	simm.s32 $_tile_overlayer_lowered  }
0x9b: {  	s22 =	simm.s32 $0x1BFF;
	s21 =	sshll.u32 s5, $0x1;
	s2 =	sadd.s32 s19, s18  }
0x9c: {  	s6 =	simm.s32 $0x0;
	s20 =	sshll.u32 s4, $0x1;
	s4 =	sadd.s32 s21, s2  }
0x9d: {  	[timem:s6], [sflag:s22] =	dma.local [hbm:s4], s20  }
0x9e: {  	_ =	swait.ge [sflag:s22], s20  }
0x9f: {  	s3 =	ssub.s32 $0x0, s20;
	[sflag:s22] =	ssyncset.done $0x0  }
0xa0: {  	[sflag:s22] =	ssyncadd.s32 s3;
	_ =	sdelay $0x1  }
0xa1: {  	s23 =	simm.s32 $0x1B8B  }
0xa2: {  	_ =	swait.ge [sflag:s23], $0x1  }
0xa3: {  	[sflag:s23] =	ssyncset.done $0x0  }
0xa4: {  	s25 =	simm.s32 $0x1B8E;
	s24 =	sld [smem:$0x3FFE];
	[sflag:s23] =	ssyncadd.s32 $0xFFFFFFFF  }
0xa5: {  	s26 =	simm.s32 $execute0_lowered;
	[smem:$0x3FD2] =	sst s25  }
0xa6: {  	s4 =	sshll.u32 s26, $0x1;
	_ =	strace $0x80000046;
	[dreg:$0x1] =	wrdreg $0xFFFFFFFF  }
0xa7: {  	s28 =	simm.s32 $_size_execute0_lowered;
	s2 =	sadd.s32 s2, s4;
	[dreg:$0x0] =	wrdreg $0x0  }
0xa8: {  	s4 =	sshll.u32 s28, $0x1;
	[dreg:$0x2] =	wrdreg s2  }
0xa9: {  	[dreg:$0x3] =	wrdreg s4  }
0xaa: {  	[dreg:$0x4] =	wrdreg $0xC0  }
0xab: {  	_ =	task [dreg:s6], $0x5FFFF  }
0xac: {  	[dreg:$0x1] =	wrdreg $0xFFFFFFFF  }
0xad: {  	[dreg:$0x0] =	wrdreg $0x60  }
0xae: {  	[dreg:$0x2] =	wrdreg s24  }
0xaf: {  	[dreg:$0x3] =	wrdreg $0x9  }
0xb0: {  	_ =	task.clear_ibuf [dreg:s6], $0x4FFFF;
	_ =	strace $0x90000046  }
0xb1: {  	s29 =	simm.s32 $0x9;
	_ =	strace $0x80000048  }
0xb2: {  	_ =	swait.ge [sflag:s29], $0x1  }
0xb3: {  	[sflag:s29] =	ssyncadd.s32 $0xFFFFFFFF  }
0xb4: {  	_ =	strace $0x90000048  }
0xb5: {  	_ =	sfence  }
0xb6: {  	s30 =	sld [smem:$0x0];
	_ =	sdelay $0x2  }
0xb7: {  	s31 =	sshll.u32 s1, $0xD;
	s1 =	sshrl.u32 s1, $0x2  }
0xb8: {  	s3 =	sand.u32 $0x4000, s31;
	s1 =	sadd.s32 s1, s30  }
0xb9: {  	s0 =	sor.u32 s3, s0;
	s1 =	sshll.u32 s1, $0x11  }
0xba: {  	s0 =	sor.u32 s1, s0  }
0xbb: {  	s0 =	sadd.s32 $0x8F2B, s0  }
0xbc: {  	[sflag:s0] =	ssyncadd.remote.s32 $0x1  }
0xbd: {  	_ =	sfence.sel $0xFFFF  }
0xbe: {  	[dreg:$0x0] =	wrdreg $0xFFFFFFFF;
	(pc) =	sbr.abs _section_cstart, $3  }
0xbf: {  	[dreg:$0x1] =	wrdreg $0xFFFFFFFF  }
0xc0: {  	_ =	task.clear_ibuf [dreg:s6], $0x2FFFF;
	_ =	strace $0x9FFFFFFF  }
0xc1: {  	(tm) =	ssettm $0x7FFFFFFF  }
tec
execute0_lowered:
.L_overlay_start_1:
0x0: {  	(tag) =	ssettag $0x1  }
0x1: {  	s7 =	rddreg [dreg:$0x0]  }
0x2: {  	s0 =	rddreg [dreg:$0x1];
	s1 =	simm.s32 $0x0  }
0x3: {  	s2 =	srdreg.scid;
	s9 =	simm.s32 $0x400;
	s10 =	simm.s32 $0x800  }
0x4: {  	s11 =	simm.s32 $0x1;
	s12 =	simm.s32 $0xF000;
	s13 =	simm.s32 $0x2  }
0x5: {  	s14 =	simm.s32 $0x7800;
	s15 =	simm.s32 $0x16800;
	s16 =	simm.s32 $0x3  }
0x6: {  	s17 =	simm.s32 $0x4;
	s18 =	simm.s32 $0x0;
	[smem:$0x7FF] =	sst s1  }
.Ltmp0:
0x7: {  	s5 =	sand.u32 $0x1, s2;
	s2 =	stileid.u32;
	(pc) =	sbr.rel .LBB2_1-.Ltmp0, $4  }
0x8: {  	s3 =	sadd.s32 $0x1E84E00, s7;
	s4 =	ssub.s32 $0x2, s5;
	s31 =	sshll.u32 s2, $0x1  }
0x9: {  	_ =	strace $0x80000047;
	s6 =	sshrl.u32 s4, $0x1;
	s5 =	sor.u32 s5, s31  }
0xa: {  	v0 =	vlaneseq.u32;
	s8 =	ssub.s32 s4, s6;
	s4 =	sadd.s32 $0x480, s7;
	s6 =	sadd.s32 $0x1E83880, s7  }
0xb: {  	v0 =	vor.u32 $0x40, v0;
	s7 =	sadd.s32 $0x2DC6800, s7;
	p0 =	sne.s32 s5, $0x0;
	s8 =	smax.u32 s8, $0x1  }
.LBB2_10:
0xc: {  	_ =	swait.ge [sflag:s16], $0x7800  }
.Ltmp1:
0xd: {  	[sflag:s16] =	ssyncset.done $0x0;
	(pc) =	sbr.rel @!p0 .LBB2_11-.Ltmp1, $4  }
0xe: {  	[sflag:s16] =	ssyncadd.s32 $0xFFFF8800  }
0xf: {  	_ =	swait.ge [sflag:s17], $0x7800  }
0x10: {  	[sflag:s17] =	ssyncset.done $0x0  }
0x11: {  	[sflag:s17] =	ssyncadd.s32 $0xFFFF8800  }
.LBB2_14:
0x12: {  	s18 =	sadd.s32 $0x1, s18  }
0x13: {  	p1 =	sne.s32 s18, s8  }
.Ltmp2:
0x14: {  	_ = 	snop;
	(pc) =	sbr.rel @!p1 .LBB2_15-.Ltmp2, $1  }
0x15: {  	_ =	sdelay $0x3  }
.LBB2_1:
.Ltmp3:
0x16: {  	(pc) =	sbr.rel .LBB2_2-.Ltmp3, $2  }
0x17: {  	_ =	sdelay $0x2  }
0x18: {  	s19 =	simm.s32 $0x0  }
.LBB2_9:
0x19: {  	s19 =	sadd.s32 $0x1, s19  }
0x1a: {  	p1 =	sne.s32 s19, $0x42  }
.Ltmp4:
0x1b: {  	_ = 	snop;
	(pc) =	sbr.rel @!p1 .LBB2_10-.Ltmp4, $1  }
0x1c: {  	_ =	sdelay $0x3  }
.LBB2_2:
0x1d: {  	s20 =	sshll.u32 s19, $0x6  }
0x1e: {  	s21 =	sor.u32 s5, s20  }
0x1f: {  	p1 =	sgt.u32 s21, $0x1045  }
.Ltmp5:
0x20: {  	_ = 	snop;
	(pc) =	sbr.rel @p1 .LBB2_9-.Ltmp5, $1  }
0x21: {  	_ =	sdelay $0x3  }
0x22: {  	s20 =	sor.u32 $0x20, s21;
	s22 =	smul.u32 $0x1E00, s21  }
0x23: {  	p1 =	sgt.u32 s20, $0x1045  }
0x24: {  	s22 =	sadd.s32 s22, s4;
	s23 =	smul.u32 @!p1 $0x1E00, s20;
	s24 =	simm.s32 @!p1 $0x800  }
0x25: {  	[tilespmem:s1], [sflag:$0x1] =	stream.strided.gather [hbm4b:s22+s9], $0x7800, s10, s9, $0x38;
	[tilespmem:$0x1E000] =	vst v63  }
0x26: {  	s25 =	simm.s32 @!p1 $0x7800;
	s22 =	sadd.s32 @!p1 s23, s4;
	s23 =	simm.s32 @!p1 $0x400  }
0x27: {  	[tilespmem:s25], [sflag:$0x2] =	stream.strided.gather @!p1 [hbm4b:s22+s23], $0x7800, s24, s23, $0x38;
	[tilespmem:$0x1E000] =	vst v63  }
0x28: {  	_ =	swait.ge [sflag:s11], $0x7800  }
0x29: {  	p2 =	seq.s32 s19, $0x0;
	[sflag:s11] =	ssyncset.done $0x0  }
0x2a: {  	s22 =	simm.s32 @!p2 $0x3;
	[sflag:s11] =	ssyncadd.s32 $0xFFFF8800  }
0x2b: {  	_ =	swait.ge @!p2 [sflag:s22], $0x7800  }
0x2c: {  	[sflag:s22] =	ssyncset.done @!p2 $0x0  }
0x2d: {  	s30 =	simm.s32 $0x20;
	[sflag:s22] =	ssyncadd.s32 @!p2 $0xFFFF8800  }
0x2e: {  	v1 =	vld [tilespmem:s30+$0xFFFFFFE0];
	_ =	sdelay $0x3  }
0x2f: {  	s22 =	simm.s32 $0xF020  }
0x30: {  	[tilespmem:s22+$0xFFFFFFE0] =	vst v1  }
0x31: {  	v1 =	vld [tilespmem:s30+$0xFFFFFFF0];
	_ =	sdelay $0x4  }
0x32: {  	[tilespmem:s22+$0xFFFFFFF0] =	vst v1  }
0x33: {  	v1 =	vld [tilespmem:s30+$0x0];
	_ =	sdelay $0x4  }
0x34: {  	[tilespmem:s22+$0x0] =	vst v1  }
0x35: {  	s31 =	simm.s32 $0x0;
	v1 =	vld [tilespmem:s30+$0x10]  }
0x36: {  	v2 =	vor.u32 s31, v0;
	_ =	sdelay $0x3  }
0x37: {  	[tilespmem:s22+$0x10] =	vst v1  }
0x38: {  	v1 =	vld.idx.msk [tilespmem:v2+s1+$0x0], $0xff;
	_ =	sdelay $0x4  }
0x39: {  	s23 =	simm.s32 $0xA0;
	[tilespmem:v2+s12+$0x0] =	vst.idx.msk $0xff, v1  }
0x3a: {  	s24 =	simm.s32 $0x1;
	s25 =	simm.s32 $0x2;
	v1 =	vld [tilespmem:s23+$0xFFFFFFE0]  }
.LBB2_4:
0x3b: {  	p3 =	sne.s32 s25, $0xEF;
	_ =	sdelay $0x2  }
0x3c: {  	s22 =	sadd.s32 $0x80, s22  }
0x3d: {  	[tilespmem:s22+$0xFFFFFFE0] =	vst v1  }
0x3e: {  	v1 =	vld [tilespmem:s23+$0xFFFFFFF0];
	_ =	sdelay $0x4  }
0x3f: {  	[tilespmem:s22+$0xFFFFFFF0] =	vst v1  }
0x40: {  	v1 =	vld [tilespmem:s23+$0x0];
	_ =	sdelay $0x4  }
0x41: {  	[tilespmem:s22+$0x0] =	vst v1  }
0x42: {  	s26 =	sshll.u32 s24, $0x7;
	s24 =	smov.u32 s25;
	v1 =	vld [tilespmem:s23+$0x10]  }
0x43: {  	v2 =	vor.u32 s26, v0;
	_ =	sdelay $0x3  }
0x44: {  	[tilespmem:s22+$0x10] =	vst v1  }
0x45: {  	v1 =	vld.idx.msk [tilespmem:v2+s1+$0x0], $0xff;
	_ =	sdelay $0x2  }
.Ltmp6:
0x46: {  	(pc) =	sbr.rel @p3 .LBB2_4-.Ltmp6, $3  }
0x47: {  	_ =	sdelay $0x1  }
0x48: {  	s23 =	sadd.s32 $0x80, s23;
	[tilespmem:v2+s12+$0x0] =	vst.idx.msk $0xff, v1  }
0x49: {  	s25 =	sadd.s32 $0x1, s25;
	v1 =	vld [tilespmem:s23+$0xFFFFFFE0]  }
0x4a: {  	_ =	sdelay $0x2  }
0x4b: {  	s22 =	sadd.s32 $0x80, s22  }
0x4c: {  	[tilespmem:s22+$0xFFFFFFE0] =	vst v1  }
0x4d: {  	v1 =	vld [tilespmem:s23+$0xFFFFFFF0];
	_ =	sdelay $0x4  }
0x4e: {  	[tilespmem:s22+$0xFFFFFFF0] =	vst v1  }
0x4f: {  	v1 =	vld [tilespmem:s23+$0x0];
	_ =	sdelay $0x4  }
0x50: {  	[tilespmem:s22+$0x0] =	vst v1  }
0x51: {  	s31 =	sshll.u32 s24, $0x7;
	v1 =	vld [tilespmem:s23+$0x10]  }
0x52: {  	v2 =	vor.u32 s31, v0;
	_ =	sdelay $0x3  }
0x53: {  	[tilespmem:s22+$0x10] =	vst v1  }
0x54: {  	v1 =	vld.idx.msk [tilespmem:v2+s1+$0x0], $0xff;
	_ =	sdelay $0x1  }
.Ltmp7:
0x55: {  	_ = 	snop;
	(pc) =	sbr.rel @p1 .LBB2_9-.Ltmp7, $3  }
0x56: {  	s21 =	smul.u32 $0xF00, s21;
	_ =	sdelay $0x1  }
0x57: {  	s21 =	sadd.s32 s3, s21;
	[tilespmem:v2+s12+$0x0] =	vst.idx.msk $0xff, v1  }
0x58: {  	[hbm4b:s21+s1] =	stream.linear.scatter [tilespmem:s12], [sflag:$0x3], $0x7800, $0x38;
	[tilespmem:$0x1E000] =	vst v63  }
0x59: {  	_ =	swait.ge [sflag:s13], $0x7800  }
0x5a: {  	[sflag:s13] =	ssyncset.done $0x0  }
0x5b: {  	s21 =	simm.s32 @!p2 $0x4;
	[sflag:s13] =	ssyncadd.s32 $0xFFFF8800  }
0x5c: {  	_ =	swait.ge @!p2 [sflag:s21], $0x7800  }
0x5d: {  	[sflag:s21] =	ssyncset.done @!p2 $0x0  }
0x5e: {  	s22 =	simm.s32 $0x7820;
	[sflag:s21] =	ssyncadd.s32 @!p2 $0xFFFF8800  }
0x5f: {  	v1 =	vld [tilespmem:s22+$0xFFFFFFE0];
	_ =	sdelay $0x3  }
0x60: {  	s21 =	simm.s32 $0x16820  }
0x61: {  	[tilespmem:s21+$0xFFFFFFE0] =	vst v1  }
0x62: {  	v1 =	vld [tilespmem:s22+$0xFFFFFFF0];
	_ =	sdelay $0x4  }
0x63: {  	[tilespmem:s21+$0xFFFFFFF0] =	vst v1  }
0x64: {  	v1 =	vld [tilespmem:s22+$0x0];
	_ =	sdelay $0x4  }
0x65: {  	[tilespmem:s21+$0x0] =	vst v1  }
0x66: {  	s31 =	simm.s32 $0x0;
	v1 =	vld [tilespmem:s22+$0x10]  }
0x67: {  	v2 =	vor.u32 s31, v0;
	_ =	sdelay $0x3  }
0x68: {  	[tilespmem:s21+$0x10] =	vst v1  }
0x69: {  	v1 =	vld.idx.msk [tilespmem:v2+s14+$0x0], $0xff;
	_ =	sdelay $0x4  }
0x6a: {  	s22 =	simm.s32 $0x78A0;
	[tilespmem:v2+s15+$0x0] =	vst.idx.msk $0xff, v1  }
0x6b: {  	s23 =	simm.s32 $0x1;
	s24 =	simm.s32 $0x2;
	v1 =	vld [tilespmem:s22+$0xFFFFFFE0]  }
.LBB2_7:
0x6c: {  	p1 =	sne.s32 s24, $0xEF;
	_ =	sdelay $0x2  }
0x6d: {  	s21 =	sadd.s32 $0x80, s21  }
0x6e: {  	[tilespmem:s21+$0xFFFFFFE0] =	vst v1  }
0x6f: {  	v1 =	vld [tilespmem:s22+$0xFFFFFFF0];
	_ =	sdelay $0x4  }
0x70: {  	[tilespmem:s21+$0xFFFFFFF0] =	vst v1  }
0x71: {  	v1 =	vld [tilespmem:s22+$0x0];
	_ =	sdelay $0x4  }
0x72: {  	[tilespmem:s21+$0x0] =	vst v1  }
0x73: {  	s25 =	sshll.u32 s23, $0x7;
	s23 =	smov.u32 s24;
	v1 =	vld [tilespmem:s22+$0x10]  }
0x74: {  	v2 =	vor.u32 s25, v0;
	_ =	sdelay $0x3  }
0x75: {  	[tilespmem:s21+$0x10] =	vst v1  }
0x76: {  	v1 =	vld.idx.msk [tilespmem:v2+s14+$0x0], $0xff;
	_ =	sdelay $0x2  }
.Ltmp8:
0x77: {  	(pc) =	sbr.rel @p1 .LBB2_7-.Ltmp8, $3  }
0x78: {  	_ =	sdelay $0x1  }
0x79: {  	s22 =	sadd.s32 $0x80, s22;
	[tilespmem:v2+s15+$0x0] =	vst.idx.msk $0xff, v1  }
0x7a: {  	s24 =	sadd.s32 $0x1, s24;
	v1 =	vld [tilespmem:s22+$0xFFFFFFE0]  }
0x7b: {  	_ =	sdelay $0x2  }
0x7c: {  	s21 =	sadd.s32 $0x80, s21  }
0x7d: {  	[tilespmem:s21+$0xFFFFFFE0] =	vst v1  }
0x7e: {  	v1 =	vld [tilespmem:s22+$0xFFFFFFF0];
	_ =	sdelay $0x4  }
0x7f: {  	[tilespmem:s21+$0xFFFFFFF0] =	vst v1  }
0x80: {  	v1 =	vld [tilespmem:s22+$0x0];
	_ =	sdelay $0x4  }
0x81: {  	[tilespmem:s21+$0x0] =	vst v1  }
0x82: {  	s31 =	sshll.u32 s23, $0x7;
	v1 =	vld [tilespmem:s22+$0x10]  }
0x83: {  	v2 =	vor.u32 s31, v0;
	_ =	sdelay $0x3  }
0x84: {  	[tilespmem:s21+$0x10] =	vst v1  }
0x85: {  	v1 =	vld.idx.msk [tilespmem:v2+s14+$0x0], $0xff;
	_ =	sdelay $0x1  }
.Ltmp9:
0x86: {  	_ = 	snop;
	(pc) =	sbr.rel .LBB2_9-.Ltmp9, $3  }
0x87: {  	s20 =	smul.u32 $0xF00, s20;
	_ =	sdelay $0x1  }
0x88: {  	s20 =	sadd.s32 s3, s20;
	[tilespmem:v2+s15+$0x0] =	vst.idx.msk $0xff, v1  }
0x89: {  	[hbm4b:s20+s1] =	stream.linear.scatter [tilespmem:s15], [sflag:$0x4], $0x7800, $0x38;
	[tilespmem:$0x1E000] =	vst v63  }
.LBB2_11:
0x8a: {  	s19 =	simm.s32 $0x0  }
0x8b: {  	[tilespmem:s19], [sflag:$0x1] =	stream.strided.gather [hbm4b:s6+s9], $0x5400, s10, s9, $0x38;
	[tilespmem:$0x1E000] =	vst v63  }
0x8c: {  	_ =	swait.ge [sflag:s11], $0x5400  }
0x8d: {  	[sflag:s11] =	ssyncset.done $0x0  }
0x8e: {  	s20 =	simm.s32 $0x20;
	[sflag:s11] =	ssyncadd.s32 $0xFFFFAC00  }
0x8f: {  	v1 =	vld [tilespmem:s20+$0xFFFFFFE0];
	_ =	sdelay $0x3  }
0x90: {  	s19 =	simm.s32 $0xF020  }
0x91: {  	[tilespmem:s19+$0xFFFFFFE0] =	vst v1  }
0x92: {  	v1 =	vld [tilespmem:s20+$0xFFFFFFF0];
	_ =	sdelay $0x4  }
0x93: {  	[tilespmem:s19+$0xFFFFFFF0] =	vst v1  }
0x94: {  	v1 =	vld [tilespmem:s20+$0x0];
	_ =	sdelay $0x4  }
0x95: {  	[tilespmem:s19+$0x0] =	vst v1  }
0x96: {  	s31 =	simm.s32 $0x0;
	v1 =	vld [tilespmem:s20+$0x10]  }
0x97: {  	v2 =	vor.u32 s31, v0;
	_ =	sdelay $0x3  }
0x98: {  	[tilespmem:s19+$0x10] =	vst v1  }
0x99: {  	v1 =	vld.idx.msk [tilespmem:v2+s1+$0x0], $0xff;
	_ =	sdelay $0x4  }
0x9a: {  	s20 =	simm.s32 $0xA0;
	[tilespmem:v2+s12+$0x0] =	vst.idx.msk $0xff, v1  }
0x9b: {  	s21 =	simm.s32 $0x1;
	s22 =	simm.s32 $0x2;
	v1 =	vld [tilespmem:s20+$0xFFFFFFE0]  }
.LBB2_12:
0x9c: {  	p1 =	sne.s32 s22, $0xA7;
	_ =	sdelay $0x2  }
0x9d: {  	s19 =	sadd.s32 $0x80, s19  }
0x9e: {  	[tilespmem:s19+$0xFFFFFFE0] =	vst v1  }
0x9f: {  	v1 =	vld [tilespmem:s20+$0xFFFFFFF0];
	_ =	sdelay $0x4  }
0xa0: {  	[tilespmem:s19+$0xFFFFFFF0] =	vst v1  }
0xa1: {  	v1 =	vld [tilespmem:s20+$0x0];
	_ =	sdelay $0x4  }
0xa2: {  	[tilespmem:s19+$0x0] =	vst v1  }
0xa3: {  	s23 =	sshll.u32 s21, $0x7;
	s21 =	smov.u32 s22;
	v1 =	vld [tilespmem:s20+$0x10]  }
0xa4: {  	v2 =	vor.u32 s23, v0;
	_ =	sdelay $0x3  }
0xa5: {  	[tilespmem:s19+$0x10] =	vst v1  }
0xa6: {  	v1 =	vld.idx.msk [tilespmem:v2+s1+$0x0], $0xff;
	_ =	sdelay $0x2  }
.Ltmp10:
0xa7: {  	(pc) =	sbr.rel @p1 .LBB2_12-.Ltmp10, $3  }
0xa8: {  	_ =	sdelay $0x1  }
0xa9: {  	s20 =	sadd.s32 $0x80, s20;
	[tilespmem:v2+s12+$0x0] =	vst.idx.msk $0xff, v1  }
0xaa: {  	s22 =	sadd.s32 $0x1, s22;
	v1 =	vld [tilespmem:s20+$0xFFFFFFE0]  }
0xab: {  	_ =	sdelay $0x2  }
0xac: {  	s19 =	sadd.s32 $0x80, s19  }
0xad: {  	[tilespmem:s19+$0xFFFFFFE0] =	vst v1  }
0xae: {  	v1 =	vld [tilespmem:s20+$0xFFFFFFF0];
	_ =	sdelay $0x4  }
0xaf: {  	[tilespmem:s19+$0xFFFFFFF0] =	vst v1  }
0xb0: {  	v1 =	vld [tilespmem:s20+$0x0];
	_ =	sdelay $0x4  }
0xb1: {  	[tilespmem:s19+$0x0] =	vst v1  }
0xb2: {  	s31 =	sshll.u32 s21, $0x7;
	v1 =	vld [tilespmem:s20+$0x10]  }
0xb3: {  	v2 =	vor.u32 s31, v0;
	_ =	sdelay $0x3  }
0xb4: {  	[tilespmem:s19+$0x10] =	vst v1  }
0xb5: {  	v1 =	vld.idx.msk [tilespmem:v2+s1+$0x0], $0xff;
	_ =	sdelay $0x4  }
.Ltmp11:
0xb6: {  	[tilespmem:v2+s12+$0x0] =	vst.idx.msk $0xff, v1;
	(pc) =	sbr.rel .LBB2_14-.Ltmp11, $4  }
0xb7: {  	[hbm4b:s7+s1] =	stream.linear.scatter [tilespmem:s12], [sflag:$0x3], $0x5400, $0x38;
	[tilespmem:$0x1E000] =	vst v63  }
0xb8: {  	_ =	swait.ge [sflag:s16], $0x5400  }
0xb9: {  	[sflag:s16] =	ssyncset.done $0x0  }
0xba: {  	[sflag:s16] =	ssyncadd.s32 $0xFFFFAC00  }
.LBB2_15:
0xbb: {  	_ =	sfence.sel $0x180000  }
0xbc: {  	[bflag:$0x0] =	sbarrier.arrive $0xFFFF  }
0xbd: {  	p0 =	sne.s32 s2, $0x0;
	_ =	strace $0x90000047  }
0xbe: {  	s0 =	sadd.s32 @!p0 $0x100000, s0;
	[bflag:$0x2] =	sbarrier.arrive $0xFFFF  }
0xbf: {  	[sflag:s0] =	ssyncadd.tile.s32 @!p0 $0x1;
	_ =	shalt  }
.Lfunc_end2:
_tile_overlayer_lowered:
.L_overlay_start_2:
0xc0: {  	(tag) =	ssettag $0x2  }
0xc1: {  	s0 =	rddreg [dreg:$0x0];
	s2 =	stileid.u32  }
0xc2: {  	s1 =	rddreg [dreg:$0x1];
	p0 =	sne.s32 s2, $0x0  }
0xc3: {  	s3 =	rddreg [dreg:$0x2];
	[bflag:$0x3] =	sbarrier.arrive $0xFFFF;
	s2 =	simm.s32 @!p0 $0x1C05  }
0xc4: {  	[timem:s3], [sflag:s2] =	dma.local @!p0 [hbm:s0], s1  }
0xc5: {  	s0 =	simm.s32 @!p0 $0x5  }
0xc6: {  	_ =	swait.ge @!p0 [sflag:s0], s1  }
0xc7: {  	s1 =	ssub.s32 @!p0 $0x0, s1;
	[sflag:s0] =	ssyncset.done @!p0 $0x0  }
0xc8: {  	[sflag:s0] =	ssyncadd.s32 @!p0 s1  }
0xc9: {  	[bflag:$0x3] =	sbarrier.arrive $0xFFFF  }
0xca: {  	_ =	shalt  }

</sc_bundles>
